<compile_context>
chip_gen: v7x
topology: tpu7x:2x2x1
jax: 0.10.2.dev20260603
libtpu: 0.0.44.dev20260713+nightly
codegen_flags: <defaults>
</compile_context>

<pallas_src>
import functools

import jax
import jax.numpy as jnp
from jax import lax
from jax.experimental import pallas as pl
from jax.experimental.pallas import tpu as pltpu
from jax.experimental.pallas import tpu_sc as plsc

DIM = 32
N_EMBED = 8192
N_TOKENS = 16384

N_T = 2048
E_C = 2048


def _argmin_body(x_ref, emb_ref, ind_ref, diff_ref):
    x = x_ref[...]
    x2 = jnp.sum(x * x, axis=1, keepdims=True)
    xb = (2.0 * x).astype(jnp.bfloat16)
    n_chunks_half = (N_EMBED // 2) // E_C
    halves = []
    for h in range(2):
        run_min = jnp.full((N_T, 1), jnp.inf, jnp.float32)
        run_idx = jnp.full((N_T, 1), jnp.inf, jnp.float32)
        for c in range(h * n_chunks_half, (h + 1) * n_chunks_half):
            e_blk = emb_ref[:, c * E_C:(c + 1) * E_C]
            mm = jnp.dot(xb, e_blk, preferred_element_type=jnp.float32)
            e2 = jnp.sum(e_blk * e_blk, axis=0, keepdims=True)
            d = (x2 - mm) + e2
            cmin = jnp.min(d, axis=1, keepdims=True)
            iota = (lax.broadcasted_iota(jnp.int32, (N_T, E_C), 1)
                    + c * E_C).astype(jnp.float32)
            cidx = jnp.min(
                jnp.where(d == cmin, iota, jnp.inf),
                axis=1, keepdims=True)
            better = cmin < run_min
            run_min = jnp.where(better, cmin, run_min)
            run_idx = jnp.where(better, cidx, run_idx)
        halves.append((run_min, run_idx))
    (v0, i0), (v1, i1) = halves
    v0_carry = v0.astype(jnp.bfloat16).astype(jnp.float32)
    pick1 = v1 < v0_carry
    run_idx = jnp.where(pick1, i1, i0)
    run_min = jnp.where(pick1, v1, v0)
    ind_ref[...] = run_idx[:, 0].astype(jnp.int32)

    step = pl.program_id(0)

    @pl.when(step == 0)
    def _():
        diff_ref[0, 0] = 0.0

    diff_ref[0, 0] += jnp.sum(run_min)

    @pl.when(step == pl.num_programs(0) - 1)
    def _():
        diff_ref[0, 0] = diff_ref[0, 0] * (1.0 / (N_TOKENS * DIM))


def _argmin_call(flat_x, embed):
    grid = (N_TOKENS // N_T,)
    return pl.pallas_call(
        _argmin_body,
        grid=grid,
        in_specs=[
            pl.BlockSpec((N_T, DIM), lambda i: (i, 0)),
            pl.BlockSpec((DIM, N_EMBED), lambda i: (0, 0)),
        ],
        out_specs=[
            pl.BlockSpec((N_T,), lambda i: (i,)),
            pl.BlockSpec(memory_space=pltpu.SMEM),
        ],
        out_shape=[
            jax.ShapeDtypeStruct((N_TOKENS,), jnp.int32),
            jax.ShapeDtypeStruct((1, 1), jnp.float32),
        ],
    )(flat_x, embed)


def _gather_call(table, ind):
    info = plsc.get_sparse_core_info()
    nw = info.num_cores * info.num_subcores
    b_per_w = N_TOKENS // nw
    n_chunks = b_per_w // 128
    mesh = plsc.VectorSubcoreMesh(core_axis_name="c", subcore_axis_name="s")

    @functools.partial(
        pl.kernel, mesh=mesh,
        compiler_params=pltpu.CompilerParams(use_tc_tiling_on_sc=False),
        out_type=jax.ShapeDtypeStruct((N_TOKENS, DIM), jnp.float32),
        scratch_types=[
            pltpu.VMEM((b_per_w,), jnp.int32),
            pltpu.VMEM((b_per_w, DIM), jnp.float32),
            pltpu.SemaphoreType.DMA,
        ],
    )
    def k(table_hbm, idx_hbm, out_hbm, idx_v, rows_v, sem):
        wid = lax.axis_index("s") * info.num_cores + lax.axis_index("c")
        base = wid * b_per_w
        pltpu.sync_copy(idx_hbm.at[pl.ds(base, b_per_w)], idx_v)
        copies = [
            pltpu.async_copy(
                table_hbm.at[idx_v.at[pl.ds(g * 128, 128)]],
                rows_v.at[pl.ds(g * 128, 128)],
                sem,
            )
            for g in range(n_chunks)
        ]
        for c in copies:
            c.wait()
        pltpu.sync_copy(rows_v, out_hbm.at[pl.ds(base, b_per_w)])

    return k(table, ind)


def kernel(x, embed):
    flat_x = x.reshape(-1, DIM)
    ind, diff = _argmin_call(flat_x, embed)
    table = embed.T
    quantize = _gather_call(table, ind)
    return (
        quantize.reshape(x.shape),
        diff.reshape(()),
        ind.reshape(x.shape[:-1]),
    )

# --- scband reference (transcript-rebuilt; emitter-appended) ---
"""Pipeline reference for scband-quantize-2551210573903 (READ-ONLY COPY).

The authoritative reference and input builder live on the scoring server;
editing this copy changes nothing except your own understanding.
"""

import jax, jax.numpy as jnp
import numpy as np

DIM = 32
N_EMBED = 8192

def setup_inputs(seed: int = 0) -> dict:
    key = jax.random.key(seed)
    k1, k2 = jax.random.split(key)
    x = jax.random.normal(k1, (16, 1024, DIM), dtype=jnp.float32)
    # learned codebook, stored as (dim, n_embed) like the rosinality VQ-VAE Quantize buffer
    embed = jax.random.normal(k2, (DIM, N_EMBED), dtype=jnp.float32)
    return {"x": x, "embed": embed}

def reference(x, embed):
    # flatten all leading dims into tokens
    flatten = x.reshape(-1, x.shape[-1])                     # [N, dim]
    # squared L2 distance to every code: ||z||^2 - 2 z.e + ||e||^2
    dist = (
        jnp.sum(flatten ** 2, axis=1, keepdims=True)
        - 2.0 * flatten @ embed
        + jnp.sum(embed ** 2, axis=0, keepdims=True)
    )                                                        # [N, n_embed]
    embed_ind = jnp.argmin(dist, axis=1)                     # [N]
    embed_ind = embed_ind.reshape(x.shape[:-1])              # [B, HW]
    # embed_code: gather codebook rows
    quantize = jnp.take(embed.T, embed_ind, axis=0)          # [B, HW, dim]
    # commitment loss term
    diff = jnp.mean((jax.lax.stop_gradient(quantize) - x) ** 2)
    # straight-through estimator
    quantize = x + jax.lax.stop_gradient(quantize - x)
    return quantize, diff, embed_ind

if __name__ == "__main__":
    import jax
    _d = setup_inputs()
    print(jax.jit(kernel)(*tuple(_d.values())))

</pallas_src>

<mosaic_0001>
#map = affine_map<(d0, d1) -> (0, 0)>
#map1 = affine_map<(d0, d1) -> (0)>
module attributes {stable_mosaic.version = 14 : i64} {
  func.func @k(%arg0: i32, %arg1: i32, %arg2: memref<8192x32xf32, #tpu.memory_space<hbm>>, %arg3: memref<16384xi32, #tpu.memory_space<hbm>>, %arg4: memref<16384x32xf32, #tpu.memory_space<hbm>>, %arg5: memref<512xi32, #tpu.memory_space<vmem>>, %arg6: memref<512x32xf32, #tpu.memory_space<vmem>>, %arg7: memref<!tpu.dma_semaphore, #tpu.memory_space<semaphore_mem>>) attributes {dimension_semantics = [#tpu.dimension_semantics<core_parallel>, #tpu.dimension_semantics<subcore_parallel>], iteration_bounds = array<i64: 2, 16>, scalar_prefetch = 0 : i64, scratch_operands = 3 : i64, tpu.core_type = #tpu.core_type<sc_vector_subcore>, window_params = [{transform_indices = #map}, {transform_indices = #map1}, {transform_indices = #map}]} {
    %mul3A = arith.constant 2 : i32
    %mul3A_0 = arith.muli %arg1, %mul3A : i32
    %add3A = arith.addi %mul3A_0, %arg0 : i32
    %mul3A_1 = arith.constant 512 : i32
    %mul3A_2 = arith.muli %add3A, %mul3A_1 : i32
    "tpu.region"() ({
      %run_scoped3A = tpu.sem_alloc : memref<!tpu.dma_semaphore, #tpu.memory_space<semaphore_mem>>
      %dma_start3A_65 = tpu.memref_slice %arg3[%mul3A_2] : memref<16384xi32, #tpu.memory_space<hbm>> -> memref<512xi32, #tpu.memory_space<hbm>>
      %dma_start3A_66 = tpu.memref_slice %arg3[%mul3A_2] : memref<16384xi32, #tpu.memory_space<hbm>> -> memref<512xi32, #tpu.memory_space<hbm>>
      tpu.enqueue_dma source(%dma_start3A_66 : memref<512xi32, #tpu.memory_space<hbm>>) target(%arg5 : memref<512xi32, #tpu.memory_space<vmem>>) target_semaphore(%run_scoped3A : memref<!tpu.dma_semaphore, #tpu.memory_space<semaphore_mem>>)
      %dma_wait3A_67 = tpu.memref_slice %arg3[%mul3A_2] : memref<16384xi32, #tpu.memory_space<hbm>> -> memref<512xi32, #tpu.memory_space<hbm>>
      %dma_wait3A_68 = tpu.memref_slice %arg3[%mul3A_2] : memref<16384xi32, #tpu.memory_space<hbm>> -> memref<512xi32, #tpu.memory_space<hbm>>
      tpu.wait_dma2 semaphore(%run_scoped3A : memref<!tpu.dma_semaphore, #tpu.memory_space<semaphore_mem>>) src(%dma_wait3A_68 : memref<512xi32, #tpu.memory_space<hbm>>) dst(%arg5 : memref<512xi32, #tpu.memory_space<vmem>>)
      tpu.yield
    }) : () -> ()
    %dma_start3A = arith.constant 0 : i32
    %dma_start3A_3 = arith.constant 0 : i32
    %dma_start3A_4 = tpu.memref_slice %arg6[%dma_start3A, %dma_start3A_3] : memref<512x32xf32, #tpu.memory_space<vmem>> -> memref<128x32xf32, #tpu.memory_space<vmem>>
    %dma_start3A_5 = arith.constant 0 : i32
    %dma_start3A_6 = tpu.memref_slice %arg5[%dma_start3A_5] : memref<512xi32, #tpu.memory_space<vmem>> -> memref<128xi32, #tpu.memory_space<vmem>>
    %dma_start3A_7 = arith.constant 0 : i32
    %dma_start3A_8 = arith.constant 0 : i32
    %dma_start3A_9 = tpu.memref_slice %arg2[%dma_start3A_7, %dma_start3A_8] : memref<8192x32xf32, #tpu.memory_space<hbm>> -> memref<8192x32xf32, #tpu.memory_space<hbm>>
    tpu.enqueue_indirect_dma source(%dma_start3A_9 : memref<8192x32xf32, #tpu.memory_space<hbm>>) target(%dma_start3A_4 : memref<128x32xf32, #tpu.memory_space<vmem>>) offsets(%dma_start3A_6 : memref<128xi32, #tpu.memory_space<vmem>>) semaphore(%arg7 : memref<!tpu.dma_semaphore, #tpu.memory_space<semaphore_mem>>)
    %dma_start3A_10 = arith.constant 128 : i32
    %dma_start3A_11 = arith.constant 0 : i32
    %dma_start3A_12 = tpu.memref_slice %arg6[%dma_start3A_10, %dma_start3A_11] : memref<512x32xf32, #tpu.memory_space<vmem>> -> memref<128x32xf32, #tpu.memory_space<vmem>>
    %dma_start3A_13 = arith.constant 128 : i32
    %dma_start3A_14 = tpu.memref_slice %arg5[%dma_start3A_13] : memref<512xi32, #tpu.memory_space<vmem>> -> memref<128xi32, #tpu.memory_space<vmem>>
    %dma_start3A_15 = arith.constant 0 : i32
    %dma_start3A_16 = arith.constant 0 : i32
    %dma_start3A_17 = tpu.memref_slice %arg2[%dma_start3A_15, %dma_start3A_16] : memref<8192x32xf32, #tpu.memory_space<hbm>> -> memref<8192x32xf32, #tpu.memory_space<hbm>>
    tpu.enqueue_indirect_dma source(%dma_start3A_17 : memref<8192x32xf32, #tpu.memory_space<hbm>>) target(%dma_start3A_12 : memref<128x32xf32, #tpu.memory_space<vmem>>) offsets(%dma_start3A_14 : memref<128xi32, #tpu.memory_space<vmem>>) semaphore(%arg7 : memref<!tpu.dma_semaphore, #tpu.memory_space<semaphore_mem>>)
    %dma_start3A_18 = arith.constant 256 : i32
    %dma_start3A_19 = arith.constant 0 : i32
    %dma_start3A_20 = tpu.memref_slice %arg6[%dma_start3A_18, %dma_start3A_19] : memref<512x32xf32, #tpu.memory_space<vmem>> -> memref<128x32xf32, #tpu.memory_space<vmem>>
    %dma_start3A_21 = arith.constant 256 : i32
    %dma_start3A_22 = tpu.memref_slice %arg5[%dma_start3A_21] : memref<512xi32, #tpu.memory_space<vmem>> -> memref<128xi32, #tpu.memory_space<vmem>>
    %dma_start3A_23 = arith.constant 0 : i32
    %dma_start3A_24 = arith.constant 0 : i32
    %dma_start3A_25 = tpu.memref_slice %arg2[%dma_start3A_23, %dma_start3A_24] : memref<8192x32xf32, #tpu.memory_space<hbm>> -> memref<8192x32xf32, #tpu.memory_space<hbm>>
    tpu.enqueue_indirect_dma source(%dma_start3A_25 : memref<8192x32xf32, #tpu.memory_space<hbm>>) target(%dma_start3A_20 : memref<128x32xf32, #tpu.memory_space<vmem>>) offsets(%dma_start3A_22 : memref<128xi32, #tpu.memory_space<vmem>>) semaphore(%arg7 : memref<!tpu.dma_semaphore, #tpu.memory_space<semaphore_mem>>)
    %dma_start3A_26 = arith.constant 384 : i32
    %dma_start3A_27 = arith.constant 0 : i32
    %dma_start3A_28 = tpu.memref_slice %arg6[%dma_start3A_26, %dma_start3A_27] : memref<512x32xf32, #tpu.memory_space<vmem>> -> memref<128x32xf32, #tpu.memory_space<vmem>>
    %dma_start3A_29 = arith.constant 384 : i32
    %dma_start3A_30 = tpu.memref_slice %arg5[%dma_start3A_29] : memref<512xi32, #tpu.memory_space<vmem>> -> memref<128xi32, #tpu.memory_space<vmem>>
    %dma_start3A_31 = arith.constant 0 : i32
    %dma_start3A_32 = arith.constant 0 : i32
    %dma_start3A_33 = tpu.memref_slice %arg2[%dma_start3A_31, %dma_start3A_32] : memref<8192x32xf32, #tpu.memory_space<hbm>> -> memref<8192x32xf32, #tpu.memory_space<hbm>>
    tpu.enqueue_indirect_dma source(%dma_start3A_33 : memref<8192x32xf32, #tpu.memory_space<hbm>>) target(%dma_start3A_28 : memref<128x32xf32, #tpu.memory_space<vmem>>) offsets(%dma_start3A_30 : memref<128xi32, #tpu.memory_space<vmem>>) semaphore(%arg7 : memref<!tpu.dma_semaphore, #tpu.memory_space<semaphore_mem>>)
    %dma_wait3A = arith.constant 0 : i32
    %dma_wait3A_34 = arith.constant 0 : i32
    %dma_wait3A_35 = tpu.memref_slice %arg6[%dma_wait3A, %dma_wait3A_34] : memref<512x32xf32, #tpu.memory_space<vmem>> -> memref<128x32xf32, #tpu.memory_space<vmem>>
    %dma_wait3A_36 = arith.constant 0 : i32
    %dma_wait3A_37 = tpu.memref_slice %arg5[%dma_wait3A_36] : memref<512xi32, #tpu.memory_space<vmem>> -> memref<128xi32, #tpu.memory_space<vmem>>
    %dma_wait3A_38 = arith.constant 0 : i32
    %dma_wait3A_39 = arith.constant 0 : i32
    %dma_wait3A_40 = tpu.memref_slice %arg2[%dma_wait3A_38, %dma_wait3A_39] : memref<8192x32xf32, #tpu.memory_space<hbm>> -> memref<8192x32xf32, #tpu.memory_space<hbm>>
    tpu.wait_indirect_dma semaphore(%arg7 : memref<!tpu.dma_semaphore, #tpu.memory_space<semaphore_mem>>) src(%dma_wait3A_40 : memref<8192x32xf32, #tpu.memory_space<hbm>>) dst(%dma_wait3A_35 : memref<128x32xf32, #tpu.memory_space<vmem>>)
    %dma_wait3A_41 = arith.constant 128 : i32
    %dma_wait3A_42 = arith.constant 0 : i32
    %dma_wait3A_43 = tpu.memref_slice %arg6[%dma_wait3A_41, %dma_wait3A_42] : memref<512x32xf32, #tpu.memory_space<vmem>> -> memref<128x32xf32, #tpu.memory_space<vmem>>
    %dma_wait3A_44 = arith.constant 128 : i32
    %dma_wait3A_45 = tpu.memref_slice %arg5[%dma_wait3A_44] : memref<512xi32, #tpu.memory_space<vmem>> -> memref<128xi32, #tpu.memory_space<vmem>>
    %dma_wait3A_46 = arith.constant 0 : i32
    %dma_wait3A_47 = arith.constant 0 : i32
    %dma_wait3A_48 = tpu.memref_slice %arg2[%dma_wait3A_46, %dma_wait3A_47] : memref<8192x32xf32, #tpu.memory_space<hbm>> -> memref<8192x32xf32, #tpu.memory_space<hbm>>
    tpu.wait_indirect_dma semaphore(%arg7 : memref<!tpu.dma_semaphore, #tpu.memory_space<semaphore_mem>>) src(%dma_wait3A_48 : memref<8192x32xf32, #tpu.memory_space<hbm>>) dst(%dma_wait3A_43 : memref<128x32xf32, #tpu.memory_space<vmem>>)
    %dma_wait3A_49 = arith.constant 256 : i32
    %dma_wait3A_50 = arith.constant 0 : i32
    %dma_wait3A_51 = tpu.memref_slice %arg6[%dma_wait3A_49, %dma_wait3A_50] : memref<512x32xf32, #tpu.memory_space<vmem>> -> memref<128x32xf32, #tpu.memory_space<vmem>>
    %dma_wait3A_52 = arith.constant 256 : i32
    %dma_wait3A_53 = tpu.memref_slice %arg5[%dma_wait3A_52] : memref<512xi32, #tpu.memory_space<vmem>> -> memref<128xi32, #tpu.memory_space<vmem>>
    %dma_wait3A_54 = arith.constant 0 : i32
    %dma_wait3A_55 = arith.constant 0 : i32
    %dma_wait3A_56 = tpu.memref_slice %arg2[%dma_wait3A_54, %dma_wait3A_55] : memref<8192x32xf32, #tpu.memory_space<hbm>> -> memref<8192x32xf32, #tpu.memory_space<hbm>>
    tpu.wait_indirect_dma semaphore(%arg7 : memref<!tpu.dma_semaphore, #tpu.memory_space<semaphore_mem>>) src(%dma_wait3A_56 : memref<8192x32xf32, #tpu.memory_space<hbm>>) dst(%dma_wait3A_51 : memref<128x32xf32, #tpu.memory_space<vmem>>)
    %dma_wait3A_57 = arith.constant 384 : i32
    %dma_wait3A_58 = arith.constant 0 : i32
    %dma_wait3A_59 = tpu.memref_slice %arg6[%dma_wait3A_57, %dma_wait3A_58] : memref<512x32xf32, #tpu.memory_space<vmem>> -> memref<128x32xf32, #tpu.memory_space<vmem>>
    %dma_wait3A_60 = arith.constant 384 : i32
    %dma_wait3A_61 = tpu.memref_slice %arg5[%dma_wait3A_60] : memref<512xi32, #tpu.memory_space<vmem>> -> memref<128xi32, #tpu.memory_space<vmem>>
    %dma_wait3A_62 = arith.constant 0 : i32
    %dma_wait3A_63 = arith.constant 0 : i32
    %dma_wait3A_64 = tpu.memref_slice %arg2[%dma_wait3A_62, %dma_wait3A_63] : memref<8192x32xf32, #tpu.memory_space<hbm>> -> memref<8192x32xf32, #tpu.memory_space<hbm>>
    tpu.wait_indirect_dma semaphore(%arg7 : memref<!tpu.dma_semaphore, #tpu.memory_space<semaphore_mem>>) src(%dma_wait3A_64 : memref<8192x32xf32, #tpu.memory_space<hbm>>) dst(%dma_wait3A_59 : memref<128x32xf32, #tpu.memory_space<vmem>>)
    "tpu.region"() ({
      %run_scoped3A = tpu.sem_alloc : memref<!tpu.dma_semaphore, #tpu.memory_space<semaphore_mem>>
      %dma_start3A_65 = arith.constant 0 : i32
      %dma_start3A_66 = tpu.memref_slice %arg4[%mul3A_2, %dma_start3A_65] : memref<16384x32xf32, #tpu.memory_space<hbm>> -> memref<512x32xf32, #tpu.memory_space<hbm>>
      %dma_start3A_67 = arith.constant 0 : i32
      %dma_start3A_68 = tpu.memref_slice %arg4[%mul3A_2, %dma_start3A_67] : memref<16384x32xf32, #tpu.memory_space<hbm>> -> memref<512x32xf32, #tpu.memory_space<hbm>>
      tpu.enqueue_dma source(%arg6 : memref<512x32xf32, #tpu.memory_space<vmem>>) target(%dma_start3A_68 : memref<512x32xf32, #tpu.memory_space<hbm>>) target_semaphore(%run_scoped3A : memref<!tpu.dma_semaphore, #tpu.memory_space<semaphore_mem>>)
      %dma_wait3A_69 = arith.constant 0 : i32
      %dma_wait3A_70 = tpu.memref_slice %arg4[%mul3A_2, %dma_wait3A_69] : memref<16384x32xf32, #tpu.memory_space<hbm>> -> memref<512x32xf32, #tpu.memory_space<hbm>>
      %dma_wait3A_71 = arith.constant 0 : i32
      %dma_wait3A_72 = tpu.memref_slice %arg4[%mul3A_2, %dma_wait3A_71] : memref<16384x32xf32, #tpu.memory_space<hbm>> -> memref<512x32xf32, #tpu.memory_space<hbm>>
      tpu.wait_dma2 semaphore(%run_scoped3A : memref<!tpu.dma_semaphore, #tpu.memory_space<semaphore_mem>>) src(%arg6 : memref<512x32xf32, #tpu.memory_space<vmem>>) dst(%dma_wait3A_72 : memref<512x32xf32, #tpu.memory_space<hbm>>)
      tpu.yield
    }) : () -> ()
    return
  }
}

module attributes {stable_mosaic.version = 14 : i64} {
  func.func @_argmin_body(%arg0: i32, %arg1: memref<2048x32xf32, #tpu.memory_space<vmem>>, %arg2: memref<32x8192xf32, #tpu.memory_space<vmem>>, %arg3: memref<2048xi32, #tpu.memory_space<vmem>>, %arg4: memref<1x1xf32, #tpu.memory_space<smem>>) attributes {dimension_semantics = [#tpu.dimension_semantics<arbitrary>], iteration_bounds = array<i64: 8>, scalar_prefetch = 0 : i64, scratch_operands = 0 : i64, tpu.core_type = #tpu.core_type<tc>, window_params = [{transform_indices = @transform_0, window_bounds = array<i64: 2048, 32>}, {pipeline_mode = #tpu.pipeline_mode<synchronous>, transform_indices = @transform_1, window_bounds = array<i64: 32, 8192>}, {transform_indices = @transform_2, window_bounds = array<i64: 2048>}, {transform_indices = @transform_3, window_bounds = array<i64: 1, 1>}]} {
    %get3A = arith.constant 0 : index
    %get3A_0 = arith.constant 0 : index
    %get3A_1 = vector.load %arg1[%get3A, %get3A_0] : memref<2048x32xf32, #tpu.memory_space<vmem>>, vector<2048x32xf32>
    %mul3A = arith.mulf %get3A_1, %get3A_1 : vector<2048x32xf32>
    %reduce_sum3A = arith.constant dense<0.000000e+00> : vector<2048xf32>
    %reduce_sum3A_2 = vector.multi_reduction <add>, %mul3A, %reduce_sum3A [1] : vector<2048x32xf32> to vector<2048xf32>
    %broadcast_in_dim3A = vector.shape_cast %reduce_sum3A_2 : vector<2048xf32> to vector<2048x1xf32>
    %mul3A_3 = arith.constant 2.000000e+00 : f32
    %mul3A_4 = vector.broadcast %mul3A_3 : f32 to vector<2048x32xf32>
    %mul3A_5 = arith.mulf %mul3A_4, %get3A_1 : vector<2048x32xf32>
    %convert_element_type3A = arith.truncf %mul3A_5 : vector<2048x32xf32> to vector<2048x32xbf16>
    %broadcast_in_dim3A_6 = arith.constant 0x7F800000 : f32
    %broadcast_in_dim3A_7 = vector.broadcast %broadcast_in_dim3A_6 : f32 to vector<2048x1xf32>
    %broadcast_in_dim3A_8 = arith.constant 0x7F800000 : f32
    %broadcast_in_dim3A_9 = vector.broadcast %broadcast_in_dim3A_8 : f32 to vector<2048x1xf32>
    %get3A_10 = arith.constant 0 : index
    %get3A_11 = arith.constant 0 : index
    %get3A_12 = vector.load %arg2[%get3A_10, %get3A_11] : memref<32x8192xf32, #tpu.memory_space<vmem>>, vector<32x2048xf32>
    %dot_general3A = arith.constant dense<0.000000e+00> : vector<2048x2048xf32>
    %dot_general3A_13 = tpu.matmul %convert_element_type3A, %get3A_12, %dot_general3A {dimension_numbers = #tpu.dot_dimension_numbers<[1], [0], [0], [1], [0, 0, 1, 1], [], []>, transpose_lhs_hint = false} : vector<2048x32xbf16>, vector<32x2048xf32>, vector<2048x2048xf32> -> vector<2048x2048xf32>
    %mul3A_14 = arith.mulf %get3A_12, %get3A_12 : vector<32x2048xf32>
    %reduce_sum3A_15 = arith.constant dense<0.000000e+00> : vector<2048xf32>
    %reduce_sum3A_16 = vector.multi_reduction <add>, %mul3A_14, %reduce_sum3A_15 [0] : vector<32x2048xf32> to vector<2048xf32>
    %broadcast_in_dim3A_17 = vector.shape_cast %reduce_sum3A_16 : vector<2048xf32> to vector<1x2048xf32>
    %sub3A = vector.broadcast %broadcast_in_dim3A : vector<2048x1xf32> to vector<2048x2048xf32>
    %sub3A_18 = arith.subf %sub3A, %dot_general3A_13 : vector<2048x2048xf32>
    %add3A = vector.broadcast %broadcast_in_dim3A_17 : vector<1x2048xf32> to vector<2048x2048xf32>
    %add3A_19 = arith.addf %sub3A_18, %add3A : vector<2048x2048xf32>
    %reduce_min3A = arith.constant dense<0x7F800000> : vector<2048xf32>
    %reduce_min3A_20 = vector.multi_reduction <minimumf>, %add3A_19, %reduce_min3A [1] : vector<2048x2048xf32> to vector<2048xf32>
    %broadcast_in_dim3A_21 = vector.shape_cast %reduce_min3A_20 : vector<2048xf32> to vector<2048x1xf32>
    %iota3A = tpu.iota {dimensions = array<i32: 1>} : vector<2048x2048xi32>
    %add3A_22 = arith.constant 0 : i32
    %add3A_23 = vector.broadcast %add3A_22 : i32 to vector<2048x2048xi32>
    %add3A_24 = arith.addi %iota3A, %add3A_23 : vector<2048x2048xi32>
    %convert_element_type3A_25 = arith.sitofp %add3A_24 : vector<2048x2048xi32> to vector<2048x2048xf32>
    %eq3A = vector.broadcast %broadcast_in_dim3A_21 : vector<2048x1xf32> to vector<2048x2048xf32>
    %eq3A_26 = arith.cmpf oeq, %add3A_19, %eq3A : vector<2048x2048xf32>
    %jit3A = arith.constant 0x7F800000 : f32
    %broadcast_in_dim3A_27 = vector.broadcast %jit3A : f32 to vector<2048x2048xf32>
    %select_n3A = arith.select %eq3A_26, %convert_element_type3A_25, %broadcast_in_dim3A_27 : vector<2048x2048xi1>, vector<2048x2048xf32>
    %reduce_min3A_28 = arith.constant dense<0x7F800000> : vector<2048xf32>
    %reduce_min3A_29 = vector.multi_reduction <minimumf>, %select_n3A, %reduce_min3A_28 [1] : vector<2048x2048xf32> to vector<2048xf32>
    %broadcast_in_dim3A_30 = vector.shape_cast %reduce_min3A_29 : vector<2048xf32> to vector<2048x1xf32>
    %lt3A = arith.cmpf olt, %broadcast_in_dim3A_21, %broadcast_in_dim3A_7 : vector<2048x1xf32>
    %select_n3A_31 = arith.select %lt3A, %broadcast_in_dim3A_21, %broadcast_in_dim3A_7 : vector<2048x1xi1>, vector<2048x1xf32>
    %select_n3A_32 = arith.select %lt3A, %broadcast_in_dim3A_30, %broadcast_in_dim3A_9 : vector<2048x1xi1>, vector<2048x1xf32>
    %get3A_33 = arith.constant 0 : index
    %get3A_34 = arith.constant 2048 : index
    %get3A_35 = vector.load %arg2[%get3A_33, %get3A_34] : memref<32x8192xf32, #tpu.memory_space<vmem>>, vector<32x2048xf32>
    %dot_general3A_36 = arith.constant dense<0.000000e+00> : vector<2048x2048xf32>
    %dot_general3A_37 = tpu.matmul %convert_element_type3A, %get3A_35, %dot_general3A_36 {dimension_numbers = #tpu.dot_dimension_numbers<[1], [0], [0], [1], [0, 0, 1, 1], [], []>, transpose_lhs_hint = false} : vector<2048x32xbf16>, vector<32x2048xf32>, vector<2048x2048xf32> -> vector<2048x2048xf32>
    %mul3A_38 = arith.mulf %get3A_35, %get3A_35 : vector<32x2048xf32>
    %reduce_sum3A_39 = arith.constant dense<0.000000e+00> : vector<2048xf32>
    %reduce_sum3A_40 = vector.multi_reduction <add>, %mul3A_38, %reduce_sum3A_39 [0] : vector<32x2048xf32> to vector<2048xf32>
    %broadcast_in_dim3A_41 = vector.shape_cast %reduce_sum3A_40 : vector<2048xf32> to vector<1x2048xf32>
    %sub3A_42 = vector.broadcast %broadcast_in_dim3A : vector<2048x1xf32> to vector<2048x2048xf32>
    %sub3A_43 = arith.subf %sub3A_42, %dot_general3A_37 : vector<2048x2048xf32>
    %add3A_44 = vector.broadcast %broadcast_in_dim3A_41 : vector<1x2048xf32> to vector<2048x2048xf32>
    %add3A_45 = arith.addf %sub3A_43, %add3A_44 : vector<2048x2048xf32>
    %reduce_min3A_46 = arith.constant dense<0x7F800000> : vector<2048xf32>
    %reduce_min3A_47 = vector.multi_reduction <minimumf>, %add3A_45, %reduce_min3A_46 [1] : vector<2048x2048xf32> to vector<2048xf32>
    %broadcast_in_dim3A_48 = vector.shape_cast %reduce_min3A_47 : vector<2048xf32> to vector<2048x1xf32>
    %iota3A_49 = tpu.iota {dimensions = array<i32: 1>} : vector<2048x2048xi32>
    %add3A_50 = arith.constant 2048 : i32
    %add3A_51 = vector.broadcast %add3A_50 : i32 to vector<2048x2048xi32>
    %add3A_52 = arith.addi %iota3A_49, %add3A_51 : vector<2048x2048xi32>
    %convert_element_type3A_53 = arith.sitofp %add3A_52 : vector<2048x2048xi32> to vector<2048x2048xf32>
    %eq3A_54 = vector.broadcast %broadcast_in_dim3A_48 : vector<2048x1xf32> to vector<2048x2048xf32>
    %eq3A_55 = arith.cmpf oeq, %add3A_45, %eq3A_54 : vector<2048x2048xf32>
    %jit3A_56 = arith.constant 0x7F800000 : f32
    %broadcast_in_dim3A_57 = vector.broadcast %jit3A_56 : f32 to vector<2048x2048xf32>
    %select_n3A_58 = arith.select %eq3A_55, %convert_element_type3A_53, %broadcast_in_dim3A_57 : vector<2048x2048xi1>, vector<2048x2048xf32>
    %reduce_min3A_59 = arith.constant dense<0x7F800000> : vector<2048xf32>
    %reduce_min3A_60 = vector.multi_reduction <minimumf>, %select_n3A_58, %reduce_min3A_59 [1] : vector<2048x2048xf32> to vector<2048xf32>
    %broadcast_in_dim3A_61 = vector.shape_cast %reduce_min3A_60 : vector<2048xf32> to vector<2048x1xf32>
    %lt3A_62 = arith.cmpf olt, %broadcast_in_dim3A_48, %select_n3A_31 : vector<2048x1xf32>
    %select_n3A_63 = arith.select %lt3A_62, %broadcast_in_dim3A_48, %select_n3A_31 : vector<2048x1xi1>, vector<2048x1xf32>
    %select_n3A_64 = arith.select %lt3A_62, %broadcast_in_dim3A_61, %select_n3A_32 : vector<2048x1xi1>, vector<2048x1xf32>
    %broadcast_in_dim3A_65 = arith.constant 0x7F800000 : f32
    %broadcast_in_dim3A_66 = vector.broadcast %broadcast_in_dim3A_65 : f32 to vector<2048x1xf32>
    %broadcast_in_dim3A_67 = arith.constant 0x7F800000 : f32
    %broadcast_in_dim3A_68 = vector.broadcast %broadcast_in_dim3A_67 : f32 to vector<2048x1xf32>
    %get3A_69 = arith.constant 0 : index
    %get3A_70 = arith.constant 4096 : index
    %get3A_71 = vector.load %arg2[%get3A_69, %get3A_70] : memref<32x8192xf32, #tpu.memory_space<vmem>>, vector<32x2048xf32>
    %dot_general3A_72 = arith.constant dense<0.000000e+00> : vector<2048x2048xf32>
    %dot_general3A_73 = tpu.matmul %convert_element_type3A, %get3A_71, %dot_general3A_72 {dimension_numbers = #tpu.dot_dimension_numbers<[1], [0], [0], [1], [0, 0, 1, 1], [], []>, transpose_lhs_hint = false} : vector<2048x32xbf16>, vector<32x2048xf32>, vector<2048x2048xf32> -> vector<2048x2048xf32>
    %mul3A_74 = arith.mulf %get3A_71, %get3A_71 : vector<32x2048xf32>
    %reduce_sum3A_75 = arith.constant dense<0.000000e+00> : vector<2048xf32>
    %reduce_sum3A_76 = vector.multi_reduction <add>, %mul3A_74, %reduce_sum3A_75 [0] : vector<32x2048xf32> to vector<2048xf32>
    %broadcast_in_dim3A_77 = vector.shape_cast %reduce_sum3A_76 : vector<2048xf32> to vector<1x2048xf32>
    %sub3A_78 = vector.broadcast %broadcast_in_dim3A : vector<2048x1xf32> to vector<2048x2048xf32>
    %sub3A_79 = arith.subf %sub3A_78, %dot_general3A_73 : vector<2048x2048xf32>
    %add3A_80 = vector.broadcast %broadcast_in_dim3A_77 : vector<1x2048xf32> to vector<2048x2048xf32>
    %add3A_81 = arith.addf %sub3A_79, %add3A_80 : vector<2048x2048xf32>
    %reduce_min3A_82 = arith.constant dense<0x7F800000> : vector<2048xf32>
    %reduce_min3A_83 = vector.multi_reduction <minimumf>, %add3A_81, %reduce_min3A_82 [1] : vector<2048x2048xf32> to vector<2048xf32>
    %broadcast_in_dim3A_84 = vector.shape_cast %reduce_min3A_83 : vector<2048xf32> to vector<2048x1xf32>
    %iota3A_85 = tpu.iota {dimensions = array<i32: 1>} : vector<2048x2048xi32>
    %add3A_86 = arith.constant 4096 : i32
    %add3A_87 = vector.broadcast %add3A_86 : i32 to vector<2048x2048xi32>
    %add3A_88 = arith.addi %iota3A_85, %add3A_87 : vector<2048x2048xi32>
    %convert_element_type3A_89 = arith.sitofp %add3A_88 : vector<2048x2048xi32> to vector<2048x2048xf32>
    %eq3A_90 = vector.broadcast %broadcast_in_dim3A_84 : vector<2048x1xf32> to vector<2048x2048xf32>
    %eq3A_91 = arith.cmpf oeq, %add3A_81, %eq3A_90 : vector<2048x2048xf32>
    %jit3A_92 = arith.constant 0x7F800000 : f32
    %broadcast_in_dim3A_93 = vector.broadcast %jit3A_92 : f32 to vector<2048x2048xf32>
    %select_n3A_94 = arith.select %eq3A_91, %convert_element_type3A_89, %broadcast_in_dim3A_93 : vector<2048x2048xi1>, vector<2048x2048xf32>
    %reduce_min3A_95 = arith.constant dense<0x7F800000> : vector<2048xf32>
    %reduce_min3A_96 = vector.multi_reduction <minimumf>, %select_n3A_94, %reduce_min3A_95 [1] : vector<2048x2048xf32> to vector<2048xf32>
    %broadcast_in_dim3A_97 = vector.shape_cast %reduce_min3A_96 : vector<2048xf32> to vector<2048x1xf32>
    %lt3A_98 = arith.cmpf olt, %broadcast_in_dim3A_84, %broadcast_in_dim3A_66 : vector<2048x1xf32>
    %select_n3A_99 = arith.select %lt3A_98, %broadcast_in_dim3A_84, %broadcast_in_dim3A_66 : vector<2048x1xi1>, vector<2048x1xf32>
    %select_n3A_100 = arith.select %lt3A_98, %broadcast_in_dim3A_97, %broadcast_in_dim3A_68 : vector<2048x1xi1>, vector<2048x1xf32>
    %get3A_101 = arith.constant 0 : index
    %get3A_102 = arith.constant 6144 : index
    %get3A_103 = vector.load %arg2[%get3A_101, %get3A_102] : memref<32x8192xf32, #tpu.memory_space<vmem>>, vector<32x2048xf32>
    %dot_general3A_104 = arith.constant dense<0.000000e+00> : vector<2048x2048xf32>
    %dot_general3A_105 = tpu.matmul %convert_element_type3A, %get3A_103, %dot_general3A_104 {dimension_numbers = #tpu.dot_dimension_numbers<[1], [0], [0], [1], [0, 0, 1, 1], [], []>, transpose_lhs_hint = false} : vector<2048x32xbf16>, vector<32x2048xf32>, vector<2048x2048xf32> -> vector<2048x2048xf32>
    %mul3A_106 = arith.mulf %get3A_103, %get3A_103 : vector<32x2048xf32>
    %reduce_sum3A_107 = arith.constant dense<0.000000e+00> : vector<2048xf32>
    %reduce_sum3A_108 = vector.multi_reduction <add>, %mul3A_106, %reduce_sum3A_107 [0] : vector<32x2048xf32> to vector<2048xf32>
    %broadcast_in_dim3A_109 = vector.shape_cast %reduce_sum3A_108 : vector<2048xf32> to vector<1x2048xf32>
    %sub3A_110 = vector.broadcast %broadcast_in_dim3A : vector<2048x1xf32> to vector<2048x2048xf32>
    %sub3A_111 = arith.subf %sub3A_110, %dot_general3A_105 : vector<2048x2048xf32>
    %add3A_112 = vector.broadcast %broadcast_in_dim3A_109 : vector<1x2048xf32> to vector<2048x2048xf32>
    %add3A_113 = arith.addf %sub3A_111, %add3A_112 : vector<2048x2048xf32>
    %reduce_min3A_114 = arith.constant dense<0x7F800000> : vector<2048xf32>
    %reduce_min3A_115 = vector.multi_reduction <minimumf>, %add3A_113, %reduce_min3A_114 [1] : vector<2048x2048xf32> to vector<2048xf32>
    %broadcast_in_dim3A_116 = vector.shape_cast %reduce_min3A_115 : vector<2048xf32> to vector<2048x1xf32>
    %iota3A_117 = tpu.iota {dimensions = array<i32: 1>} : vector<2048x2048xi32>
    %add3A_118 = arith.constant 6144 : i32
    %add3A_119 = vector.broadcast %add3A_118 : i32 to vector<2048x2048xi32>
    %add3A_120 = arith.addi %iota3A_117, %add3A_119 : vector<2048x2048xi32>
    %convert_element_type3A_121 = arith.sitofp %add3A_120 : vector<2048x2048xi32> to vector<2048x2048xf32>
    %eq3A_122 = vector.broadcast %broadcast_in_dim3A_116 : vector<2048x1xf32> to vector<2048x2048xf32>
    %eq3A_123 = arith.cmpf oeq, %add3A_113, %eq3A_122 : vector<2048x2048xf32>
    %jit3A_124 = arith.constant 0x7F800000 : f32
    %broadcast_in_dim3A_125 = vector.broadcast %jit3A_124 : f32 to vector<2048x2048xf32>
    %select_n3A_126 = arith.select %eq3A_123, %convert_element_type3A_121, %broadcast_in_dim3A_125 : vector<2048x2048xi1>, vector<2048x2048xf32>
    %reduce_min3A_127 = arith.constant dense<0x7F800000> : vector<2048xf32>
    %reduce_min3A_128 = vector.multi_reduction <minimumf>, %select_n3A_126, %reduce_min3A_127 [1] : vector<2048x2048xf32> to vector<2048xf32>
    %broadcast_in_dim3A_129 = vector.shape_cast %reduce_min3A_128 : vector<2048xf32> to vector<2048x1xf32>
    %lt3A_130 = arith.cmpf olt, %broadcast_in_dim3A_116, %select_n3A_99 : vector<2048x1xf32>
    %select_n3A_131 = arith.select %lt3A_130, %broadcast_in_dim3A_116, %select_n3A_99 : vector<2048x1xi1>, vector<2048x1xf32>
    %select_n3A_132 = arith.select %lt3A_130, %broadcast_in_dim3A_129, %select_n3A_100 : vector<2048x1xi1>, vector<2048x1xf32>
    %convert_element_type3A_133 = arith.truncf %select_n3A_63 : vector<2048x1xf32> to vector<2048x1xbf16>
    %convert_element_type3A_134 = arith.extf %convert_element_type3A_133 : vector<2048x1xbf16> to vector<2048x1xf32>
    %lt3A_135 = arith.cmpf olt, %select_n3A_131, %convert_element_type3A_134 : vector<2048x1xf32>
    %select_n3A_136 = arith.select %lt3A_135, %select_n3A_132, %select_n3A_64 : vector<2048x1xi1>, vector<2048x1xf32>
    %select_n3A_137 = arith.select %lt3A_135, %select_n3A_131, %select_n3A_63 : vector<2048x1xi1>, vector<2048x1xf32>
    %squeeze3A = vector.shape_cast %select_n3A_136 : vector<2048x1xf32> to vector<2048xf32>
    %convert_element_type3A_138 = arith.fptosi %squeeze3A : vector<2048xf32> to vector<2048xi32>
    %swap3A = arith.constant 0 : index
    %swap3A_139 = vector.load %arg3[%swap3A] : memref<2048xi32, #tpu.memory_space<vmem>>, vector<2048xi32>
    tpu.vector_store %arg3[%swap3A], %convert_element_type3A_138 {strides = array<i32>} : memref<2048xi32, #tpu.memory_space<vmem>>, vector<2048xi32>,
    %eq3A_140 = arith.constant 0 : i32
    %eq3A_141 = arith.cmpi eq, %arg0, %eq3A_140 : i32
    %convert_element_type3A_142 = arith.extui %eq3A_141 : i1 to i32
    %cond3A = arith.constant 0 : i32
    %cond3A_143 = arith.cmpi ne, %convert_element_type3A_142, %cond3A : i32
    scf.if %cond3A_143 {
      %swap3A_161 = arith.constant 0.000000e+00 : f32
      %swap3A_162 = arith.constant 0 : index
      %swap3A_163 = arith.constant 0 : index
      %swap3A_164 = memref.load %arg4[%swap3A_162, %swap3A_163] : memref<1x1xf32, #tpu.memory_space<smem>>
      memref.store %swap3A_161, %arg4[%swap3A_162, %swap3A_163] : memref<1x1xf32, #tpu.memory_space<smem>>
    } else {
    }
    %get3A_144 = arith.constant 0 : index
    %get3A_145 = arith.constant 0 : index
    %get3A_146 = memref.load %arg4[%get3A_144, %get3A_145] : memref<1x1xf32, #tpu.memory_space<smem>>
    %reduce_sum3A_147 = vector.shape_cast %select_n3A_137 : vector<2048x1xf32> to vector<1x2048x1xf32>
    %reduce_sum3A_148 = arith.constant dense<0.000000e+00> : vector<1xf32>
    %reduce_sum3A_149 = vector.multi_reduction <add>, %reduce_sum3A_147, %reduce_sum3A_148 [1, 2] : vector<1x2048x1xf32> to vector<1xf32>
    %reduce_sum3A_150 = vector.shape_cast %reduce_sum3A_149 : vector<1xf32> to vector<1x1x1xf32>
    %reduce_sum3A_151 = vector.extract %reduce_sum3A_150[0, 0, 0] : f32 from vector<1x1x1xf32>
    %add3A_152 = arith.addf %get3A_146, %reduce_sum3A_151 : f32
    %swap3A_153 = arith.constant 0 : index
    %swap3A_154 = arith.constant 0 : index
    %swap3A_155 = memref.load %arg4[%swap3A_153, %swap3A_154] : memref<1x1xf32, #tpu.memory_space<smem>>
    memref.store %add3A_152, %arg4[%swap3A_153, %swap3A_154] : memref<1x1xf32, #tpu.memory_space<smem>>
    %eq3A_156 = arith.constant 7 : i32
    %eq3A_157 = arith.cmpi eq, %arg0, %eq3A_156 : i32
    %convert_element_type3A_158 = arith.extui %eq3A_157 : i1 to i32
    %cond3A_159 = arith.constant 0 : i32
    %cond3A_160 = arith.cmpi ne, %convert_element_type3A_158, %cond3A_159 : i32
    scf.if %cond3A_160 {
      %get3A_161 = arith.constant 0 : index
      %get3A_162 = arith.constant 0 : index
      %get3A_163 = memref.load %arg4[%get3A_161, %get3A_162] : memref<1x1xf32, #tpu.memory_space<smem>>
      %mul3A_164 = arith.constant 1.90734863E-6 : f32
      %mul3A_165 = arith.mulf %get3A_163, %mul3A_164 : f32
      %swap3A_166 = arith.constant 0 : index
      %swap3A_167 = arith.constant 0 : index
      %swap3A_168 = memref.load %arg4[%swap3A_166, %swap3A_167] : memref<1x1xf32, #tpu.memory_space<smem>>
      memref.store %mul3A_165, %arg4[%swap3A_166, %swap3A_167] : memref<1x1xf32, #tpu.memory_space<smem>>
    } else {
    }
    return
  }
  func.func @transform_0(%arg0: i32) -> (i32, i32) {
    %c0_i32 = arith.constant 0 : i32
    %c0_i32_0 = arith.constant 0 : i32
    return %arg0, %c0_i32 : i32, i32
  }
  func.func @transform_1(%arg0: i32) -> (i32, i32) {
    %c0_i32 = arith.constant 0 : i32
    %c0_i32_0 = arith.constant 0 : i32
    %c0_i32_1 = arith.constant 0 : i32
    return %c0_i32, %c0_i32_0 : i32, i32
  }
  func.func @transform_2(%arg0: i32) -> i32 {
    %c0_i32 = arith.constant 0 : i32
    return %arg0 : i32
  }
  func.func @transform_3(%arg0: i32) -> (i32, i32) {
    %c0_i32 = arith.constant 0 : i32
    %c0_i32_0 = arith.constant 0 : i32
    %c0_i32_1 = arith.constant 0 : i32
    return %c0_i32, %c0_i32_0 : i32, i32
  }
}

</mosaic_0001>

<sc_bundles>
// kernel: kernel.4.cloned.1.call-start
scs
__scs_entry_jumppad:
0x0: {  	(pc) =	sbr.rel $0x88, $3  }
0x1: {  	(tag) =	ssettag $0x0;
	lr =	simm.s32 $0x1  }
0x2: {  	[smem:$0x3F9F] =	sst lr;
	_ =	strace $0xD0000000  }
0x3: {  	_ = 	snop  }
0x4: {  	_ = 	snop  }
0x5: {  	_ = 	snop  }
0x6: {  	_ = 	snop  }
0x7: {  	_ = 	snop  }
__scs_overlays_trampoline_lowered:
0x8: {  	[smem:$0x3FAE] =	sst s0  }
0x9: {  	[smem:$0x3FAF] =	sst s1  }
0xa: {  	[smem:$0x3FB0] =	sst s2  }
0xb: {  	[smem:$0x3FB1] =	sst s3  }
0xc: {  	[smem:$0x3FB2] =	sst s4  }
0xd: {  	[smem:$0x3FB3] =	sst s5  }
0xe: {  	[smem:$0x3FB4] =	sst s6  }
0xf: {  	[smem:$0x3FB5] =	sst s7  }
0x10: {  	[smem:$0x3FB6] =	sst s8  }
0x11: {  	[smem:$0x3FB7] =	sst s9;
	s0 =	simm.s32 @!p0 $0x0  }
0x12: {  	s1 =	sld [smem:$0x3F9D];
	s0 =	simm.s32 @p0 $0x1  }
0x13: {  	[smem:$0x3FB8] =	sst s0;
	s0 =	simm.s32 @!p1 $0x0  }
0x14: {  	s2 =	sld [smem:$0x3F9C];
	s0 =	simm.s32 @p1 $0x1  }
0x15: {  	[smem:$0x3FB9] =	sst s0;
	s0 =	simm.s32 @!p2 $0x0  }
0x16: {  	s3 =	sld [smem:$0x3FDB];
	s0 =	simm.s32 @p2 $0x1  }
0x17: {  	s4 =	simm.s32 $0x1BF5;
	[smem:$0x3FBB] =	sst s0  }
0x18: {  	s0 =	sld [smem:$0x3F9E];
	_ =	swait.ge [sflag:s4], $0x0  }
0x19: {  	s7 =	sld [smem:$0x3F9F]  }
0x1a: {  	s8 =	sadd.s32 $0xFFFFE003, lr  }
0x1b: {  	s9 =	sadd.s32 $0xFFFFFEF7, lr;
	s5 =	simm.s32 $0xFFFFFFFF;
	p2 =	slt.u32 s8, $0xFFFFF086  }
0x1c: {  	p1 =	slt.u32 s9, $0xF7A;
	s5 =	simm.s32 @!p2 $0x0  }
0x1d: {  	s5 =	simm.s32 @p1 $0x1;
	p0 =	seq.s32 s7, s2  }
0x1e: {  	s7 =	smul.u32 @!p0 $0xF7A, s2;
	p2 =	seq.s32 @!p0 s5, $0x0  }
0x1f: {  	s9 =	smul.u32 $0xF7A, s1;
	s8 =	simm.s32 @!p0 $0x1BF5;
	p2 =	por !p2, p0  }
0x20: {  	[sflag:s8] =	ssyncset.s32 @!p0 $0xFFFFF086;
	s6 =	sadd.s32 @!p0 s3, s7;
	s7 =	simm.s32 @!p0 $0x108  }
0x21: {  	s3 =	sadd.s32 s3, s9;
	s6 =	sadd.s32 @!p0 $0x88, s6;
	s7 =	simm.s32 @p2 $0x1082  }
0x22: {  	[simem:s7], [sflag:s8] =	dma.local @!p0 [hbm:s6], $0xF7A  }
0x23: {  	s9 =	sor.u32 $0xD0000000, s2;
	s6 =	simm.s32 $0x108;
	_ =	swait.ge @!p0 [sflag:s8], $0x0  }
0x24: {  	s3 =	sadd.s32 $0x88, s3;
	s6 =	simm.s32 @!p1 $0x1082;
	[sflag:s4] =	ssyncset.s32 $0xFFFFF086  }
0x25: {  	[simem:s6], [sflag:s4] =	dma.local [hbm:s3], $0xF7A  }
0x26: {  	[smem:$0x3F9F] =	sst s1;
	(tag) =	ssettag s2;
	_ =	strace s9  }
0x27: {  	s1 =	sld [smem:$0x3FAF]  }
0x28: {  	s2 =	sld [smem:$0x3FB0]  }
0x29: {  	s4 =	sld [smem:$0x3FB2]  }
0x2a: {  	p0 =	seq.s32 s5, $0x0;
	s5 =	sld [smem:$0x3FB3]  }
0x2b: {  	s6 =	sld [smem:$0x3FB4]  }
0x2c: {  	s7 =	sld [smem:$0x3FB5]  }
0x2d: {  	s3 =	simm.s32 $0x108;
	s8 =	sld [smem:$0x3FB6]  }
0x2e: {  	s3 =	simm.s32 @!p0 $0x1082;
	s9 =	sld [smem:$0x3FB7]  }
0x2f: {  	lr =	sadd.s32 s0, s3;
	s0 =	sld [smem:$0x3FAE]  }
0x30: {  	s3 =	sld [smem:$0x3FB1]  }
0x31: {  	[smem:$0x3FBA] =	sst s10  }
0x32: {  	s10 =	sld [smem:$0x3FB8];
	_ =	sdelay $0x3  }
0x33: {  	p0 =	seq.s32 s10, $0x1;
	s10 =	sld [smem:$0x3FBA];
	_ =	sdelay $0x3  }
0x34: {  	[smem:$0x3FBA] =	sst s10  }
0x35: {  	s10 =	sld [smem:$0x3FB9];
	_ =	sdelay $0x3  }
0x36: {  	p1 =	seq.s32 s10, $0x1;
	s10 =	sld [smem:$0x3FBA];
	_ =	sdelay $0x3  }
0x37: {  	[smem:$0x3FBA] =	sst s10  }
0x38: {  	s10 =	sld [smem:$0x3FBB]  }
0x39: {  	_ = 	snop;
	(pc) =	sbr.ind lr, $3  }
0x3a: {  	_ = 	snop  }
0x3b: {  	_ = 	snop  }
0x3c: {  	p2 =	seq.s32 s10, $0x1;
	s10 =	sld [smem:$0x3FBA]  }
0x3d: {  	_ =	shalt  }
0x3e: {  	_ =	shalt  }
0x3f: {  	_ =	shalt  }
0x40: {  	_ =	shalt  }
0x41: {  	_ =	shalt  }
0x42: {  	_ =	shalt  }
0x43: {  	_ =	shalt  }
0x44: {  	_ =	shalt  }
0x45: {  	_ =	shalt  }
0x46: {  	_ =	shalt  }
0x47: {  	_ =	shalt  }
0x48: {  	_ =	shalt  }
0x49: {  	_ =	shalt  }
0x4a: {  	_ =	shalt  }
0x4b: {  	_ =	shalt  }
0x4c: {  	_ =	shalt  }
0x4d: {  	_ =	shalt  }
0x4e: {  	_ =	shalt  }
0x4f: {  	_ =	shalt  }
0x50: {  	_ =	shalt  }
0x51: {  	_ =	shalt  }
0x52: {  	_ =	shalt  }
0x53: {  	_ =	shalt  }
0x54: {  	_ =	shalt  }
0x55: {  	_ =	shalt  }
0x56: {  	_ =	shalt  }
0x57: {  	_ =	shalt  }
0x58: {  	_ =	shalt  }
0x59: {  	_ =	shalt  }
0x5a: {  	_ =	shalt  }
0x5b: {  	_ =	shalt  }
0x5c: {  	_ =	shalt  }
0x5d: {  	_ =	shalt  }
0x5e: {  	_ =	shalt  }
0x5f: {  	_ =	shalt  }
0x60: {  	_ =	shalt  }
0x61: {  	_ =	shalt  }
0x62: {  	_ =	shalt  }
0x63: {  	_ =	shalt  }
0x64: {  	_ =	shalt  }
0x65: {  	_ =	shalt  }
0x66: {  	_ =	shalt  }
0x67: {  	_ =	shalt  }
0x68: {  	_ =	shalt  }
0x69: {  	_ =	shalt  }
0x6a: {  	_ =	shalt  }
0x6b: {  	_ =	shalt  }
0x6c: {  	_ =	shalt  }
0x6d: {  	_ =	shalt  }
0x6e: {  	_ =	shalt  }
0x6f: {  	_ =	shalt  }
0x70: {  	_ =	shalt  }
0x71: {  	_ =	shalt  }
0x72: {  	_ =	shalt  }
0x73: {  	_ =	shalt  }
0x74: {  	_ =	shalt  }
0x75: {  	_ =	shalt  }
0x76: {  	_ =	shalt  }
0x77: {  	_ =	shalt  }
0x78: {  	_ =	shalt  }
0x79: {  	_ =	shalt  }
0x7a: {  	_ =	shalt  }
0x7b: {  	_ =	shalt  }
0x7c: {  	_ =	shalt  }
0x7d: {  	_ =	shalt  }
0x7e: {  	_ =	shalt  }
0x7f: {  	_ =	shalt  }
0x80: {  	_ =	shalt  }
0x81: {  	_ =	shalt  }
0x82: {  	_ =	shalt  }
0x83: {  	_ =	shalt  }
0x84: {  	_ =	shalt  }
0x85: {  	_ =	shalt  }
0x86: {  	_ =	shalt  }
0x87: {  	_ =	shalt  }
.Lfunc_end0:
.L_simem_size_0:
called_computation_lowered:
.L_overlay_start_0:
0x88: {  	s2 =	sld [smem:$0x3FD9]  }
0x89: {  	s3 =	sld [smem:$0x3FFE];
	_ =	sdelay $0x1  }
0x8a: {  	s1 =	srdreg.scid  }
0x8b: {  	s0 =	sand.u32 $0x1, s1  }
0x8c: {  	s14 =	sshll.u32 s0, $0xA;
	s2 =	sadd.s32 s3, s2  }
0x8d: {  	s2 =	sadd.s32 s2, s14  }
0x8e: {  	[smem:$0x3FC6] =	sst s2  }
0x8f: {  	_ = 	snop  }
0x90: {  	s2 =	sld [smem:$0x3FD0];
	_ =	sdelay $0x2  }
0x91: {  	s15 =	simm.s32 $0xA;
	s4 =	simm.s32 $0x10  }
0x92: {  	[smem:s4], [sflag:s15] =	dma.local [hbm:s2], $0x1  }
0x93: {  	_ =	swait.eq [sflag:s15], $0x1  }
0x94: {  	[sflag:s15] =	ssyncset.done $0x0  }
0x95: {  	[sflag:s15] =	ssyncadd.s32 $0xFFFFFFFF  }
0x96: {  	s16 =	sld [smem:$0x10];
	(tm) =	ssettm $0x1  }
0x97: {  	s17 =	sld [smem:$0x3FFB];
	_ =	sdelay $0x3  }
0x98: {  	_ =	strace s17  }
0x99: {  	s3 =	sld [smem:$0x3FFC];
	_ =	sdelay $0x3  }
0x9a: {  	_ =	strace s3  }
0x9b: {  	s3 =	sld [smem:$0x3FFD];
	_ =	sdelay $0x3  }
0x9c: {  	_ =	strace s3  }
0x9d: {  	_ =	strace $0x8FFFFFFF  }
0x9e: {  	s18 =	sld [smem:$0x3FDB];
	_ =	sdelay $0x1  }
0x9f: {  	s19 =	simm.s32 $_scs_section_size  }
0xa0: {  	s5 =	simm.s32 $_size__tile_overlayer_lowered;
	s6 =	simm.s32 $_tile_overlayer_lowered  }
0xa1: {  	s22 =	simm.s32 $0x1BFF;
	s21 =	sshll.u32 s6, $0x1;
	s3 =	sadd.s32 s19, s18  }
0xa2: {  	s7 =	simm.s32 $0x0;
	s20 =	sshll.u32 s5, $0x1;
	s5 =	sadd.s32 s21, s3  }
0xa3: {  	[timem:s7], [sflag:s22] =	dma.local [hbm:s5], s20  }
0xa4: {  	_ =	swait.ge [sflag:s22], s20  }
0xa5: {  	s4 =	ssub.s32 $0x0, s20;
	[sflag:s22] =	ssyncset.done $0x0  }
0xa6: {  	[sflag:s22] =	ssyncadd.s32 s4;
	_ =	sdelay $0x1  }
0xa7: {  	s23 =	simm.s32 $0x1B8B  }
0xa8: {  	_ =	swait.ge [sflag:s23], $0x1  }
0xa9: {  	[sflag:s23] =	ssyncset.done $0x0  }
0xaa: {  	s25 =	simm.s32 $0x1B8E;
	s24 =	sld [smem:$0x3FFE];
	[sflag:s23] =	ssyncadd.s32 $0xFFFFFFFF  }
0xab: {  	s26 =	simm.s32 $execute0_lowered;
	[smem:$0x3FD2] =	sst s25  }
0xac: {  	s5 =	sshll.u32 s26, $0x1;
	_ =	strace $0x80000046;
	[dreg:$0x1] =	wrdreg $0xFFFFFFFF  }
0xad: {  	s28 =	simm.s32 $_size_execute0_lowered;
	s3 =	sadd.s32 s3, s5;
	[dreg:$0x0] =	wrdreg $0x0  }
0xae: {  	s5 =	sshll.u32 s28, $0x1;
	[dreg:$0x2] =	wrdreg s3  }
0xaf: {  	[dreg:$0x3] =	wrdreg s5  }
0xb0: {  	[dreg:$0x4] =	wrdreg $0xC0  }
0xb1: {  	_ =	task [dreg:s7], $0x5FFFF  }
0xb2: {  	[dreg:$0x1] =	wrdreg $0xFFFFFFFF  }
0xb3: {  	[dreg:$0x0] =	wrdreg $0x60  }
0xb4: {  	[dreg:$0x2] =	wrdreg s24  }
0xb5: {  	[dreg:$0x3] =	wrdreg s16  }
0xb6: {  	[dreg:$0x4] =	wrdreg $0x9  }
0xb7: {  	_ =	task.clear_ibuf [dreg:s7], $0x5FFFF;
	_ =	strace $0x90000046  }
0xb8: {  	s29 =	simm.s32 $0x9;
	_ =	strace $0x80000048  }
0xb9: {  	_ =	swait.ge [sflag:s29], $0x1  }
0xba: {  	[sflag:s29] =	ssyncadd.s32 $0xFFFFFFFF  }
0xbb: {  	_ =	strace $0x90000048  }
0xbc: {  	_ =	sfence  }
0xbd: {  	s30 =	sld [smem:$0x0];
	_ =	sdelay $0x2  }
0xbe: {  	s31 =	sshll.u32 s1, $0xD;
	s1 =	sshrl.u32 s1, $0x2  }
0xbf: {  	s3 =	sand.u32 $0x4000, s31;
	s1 =	sadd.s32 s1, s30  }
0xc0: {  	s0 =	sor.u32 s3, s0;
	s1 =	sshll.u32 s1, $0x11  }
0xc1: {  	s0 =	sor.u32 s1, s0  }
0xc2: {  	s0 =	sadd.s32 $0x8F2B, s0  }
0xc3: {  	[sflag:s0] =	ssyncadd.remote.s32 $0x1  }
0xc4: {  	_ =	sfence.sel $0xFFFF  }
0xc5: {  	[dreg:$0x0] =	wrdreg $0xFFFFFFFF;
	(pc) =	sbr.abs _section_cstart, $3  }
0xc6: {  	[dreg:$0x1] =	wrdreg $0xFFFFFFFF  }
0xc7: {  	_ =	task.clear_ibuf [dreg:s7], $0x2FFFF;
	_ =	strace $0x9FFFFFFF  }
0xc8: {  	(tm) =	ssettm $0x7FFFFFFF  }
0xc9: {  	_ =	shalt  }
tec
execute0_lowered:
.L_overlay_start_1:
0x0: {  	(tag) =	ssettag $0x1  }
0x1: {  	s1 =	srdreg.scid  }
0x2: {  	s0 =	stileid.u32;
	s14 =	sand.u32 $0x1, s1  }
0x3: {  	s5 =	rddreg [dreg:$0x0];
	s29 =	sshll.u32 s0, $0xA;
	s2 =	sshll.u32 s14, $0x9  }
0x4: {  	s15 =	rddreg [dreg:$0x1];
	s16 =	sor.u32 s2, s29  }
0x5: {  	s1 =	rddreg [dreg:$0x2];
	s2 =	simm.s32 $0x0;
	s3 =	sshrl.u32 s16, $0x3  }
0x6: {  	[smem:$0x7FF] =	sst s2;
	s3 =	sadd.s32 s3, s5  }
0x7: {  	_ =	strace $0x80000047;
	s4 =	sadd.s32 $0x8E00, s3;
	s3 =	simm.s32 $0x2  }
0x8: {  	[tilespmem:s2], [sflag:$0x2] =	stream.linear.gather [hbm4b:s4+s2], $0x200, $0x38;
	[tilespmem:$0x4200] =	vst v63  }
0x9: {  	_ =	swait.ge [sflag:s3], $0x200  }
0xa: {  	s6 =	simm.s32 $0x80;
	[sflag:s3] =	ssyncset.done $0x0  }
0xb: {  	s7 =	simm.s32 $0x200;
	s5 =	sadd.s32 $0xE00, s5;
	[sflag:s3] =	ssyncadd.s32 $0xFFFFFE00  }
0xc: {  	[tilespmem:s7], [sflag:$0x1] =	stream.indirect.gather [hbm4b:s5+s6], $0x20, s2, s6, $0xb8;
	[tilespmem:$0x4200] =	vst v63  }
0xd: {  	s8 =	simm.s32 $0x1200  }
0xe: {  	[tilespmem:s8], [sflag:$0x1] =	stream.indirect.gather [hbm4b:s5+s6], $0x20, s6, s6, $0xb8;
	[tilespmem:$0x4200] =	vst v63  }
0xf: {  	s9 =	simm.s32 $0x100;
	s10 =	simm.s32 $0x2200  }
0x10: {  	[tilespmem:s10], [sflag:$0x1] =	stream.indirect.gather [hbm4b:s5+s6], $0x20, s9, s6, $0xb8;
	[tilespmem:$0x4200] =	vst v63  }
0x11: {  	s11 =	simm.s32 $0x180;
	s12 =	simm.s32 $0x3200;
	s13 =	simm.s32 $0x1  }
0x12: {  	[tilespmem:s12], [sflag:$0x1] =	stream.indirect.gather [hbm4b:s5+s6], $0x20, s11, s6, $0xb8;
	[tilespmem:$0x4200] =	vst v63  }
0x13: {  	_ =	swait.ge [sflag:s13], $0x1000  }
0x14: {  	[sflag:s13] =	ssyncset.done $0x0  }
0x15: {  	[sflag:s13] =	ssyncadd.s32 $0xFFFFF000  }
0x16: {  	_ =	swait.ge [sflag:s13], $0x1000  }
0x17: {  	[sflag:s13] =	ssyncset.done $0x0  }
0x18: {  	s14 =	ssub.s32 $0x2, s14;
	[sflag:s13] =	ssyncadd.s32 $0xFFFFF000  }
0x19: {  	s17 =	sshrl.u32 s14, $0x1;
	_ =	swait.ge [sflag:s13], $0x1000  }
0x1a: {  	s17 =	ssub.s32 s14, s17;
	[sflag:s13] =	ssyncset.done $0x0  }
0x1b: {  	s31 =	smax.u32 s17, $0x1;
	[sflag:s13] =	ssyncadd.s32 $0xFFFFF000  }
0x1c: {  	p0 =	sne.s32 s31, $0x1;
	_ =	swait.ge [sflag:s13], $0x1000  }
.Ltmp0:
0x1d: {  	s30 =	sshll.u32 s16, $0x2;
	[sflag:s13] =	ssyncset.done $0x0;
	(pc) =	sbr.rel @!p0 .LBB2_2-.Ltmp0, $4  }
0x1e: {  	s14 =	sadd.s32 s15, s30;
	[sflag:s13] =	ssyncadd.s32 $0xFFFFF000  }
0x1f: {  	[hbm4b:s14+s2] =	stream.linear.scatter [tilespmem:s7], [sflag:$0x2], $0x4000, $0x38;
	[tilespmem:$0x4200] =	vst v63  }
0x20: {  	_ =	swait.ge [sflag:s3], $0x4000  }
0x21: {  	s15 =	sadd.s32 $0xFFFFFFFF, s31;
	[sflag:s3] =	ssyncset.done $0x0  }
.LBB2_1:
0x22: {  	p0 =	sne.s32 s15, $0x1;
	s15 =	sadd.s32 $0xFFFFFFFF, s15;
	[sflag:s3] =	ssyncadd.s32 $0xFFFFC000  }
0x23: {  	[tilespmem:s2], [sflag:$0x2] =	stream.linear.gather [hbm4b:s4+s2], $0x200, $0x38;
	[tilespmem:$0x4200] =	vst v63  }
0x24: {  	_ =	swait.ge [sflag:s3], $0x200  }
0x25: {  	[sflag:s3] =	ssyncset.done $0x0  }
0x26: {  	[sflag:s3] =	ssyncadd.s32 $0xFFFFFE00  }
0x27: {  	[tilespmem:s7], [sflag:$0x1] =	stream.indirect.gather [hbm4b:s5+s6], $0x20, s2, s6, $0xb8;
	[tilespmem:$0x4200] =	vst v63  }
0x28: {  	_ = 	snop  }
0x29: {  	[tilespmem:s8], [sflag:$0x1] =	stream.indirect.gather [hbm4b:s5+s6], $0x20, s6, s6, $0xb8;
	[tilespmem:$0x4200] =	vst v63  }
0x2a: {  	_ = 	snop  }
0x2b: {  	[tilespmem:s10], [sflag:$0x1] =	stream.indirect.gather [hbm4b:s5+s6], $0x20, s9, s6, $0xb8;
	[tilespmem:$0x4200] =	vst v63  }
0x2c: {  	_ = 	snop  }
0x2d: {  	[tilespmem:s12], [sflag:$0x1] =	stream.indirect.gather [hbm4b:s5+s6], $0x20, s11, s6, $0xb8;
	[tilespmem:$0x4200] =	vst v63  }
0x2e: {  	_ =	swait.ge [sflag:s13], $0x1000  }
0x2f: {  	[sflag:s13] =	ssyncset.done $0x0  }
0x30: {  	[sflag:s13] =	ssyncadd.s32 $0xFFFFF000  }
0x31: {  	_ =	swait.ge [sflag:s13], $0x1000  }
0x32: {  	[sflag:s13] =	ssyncset.done $0x0  }
0x33: {  	[sflag:s13] =	ssyncadd.s32 $0xFFFFF000  }
0x34: {  	_ =	swait.ge [sflag:s13], $0x1000  }
0x35: {  	[sflag:s13] =	ssyncset.done $0x0  }
0x36: {  	[sflag:s13] =	ssyncadd.s32 $0xFFFFF000  }
0x37: {  	_ =	swait.ge [sflag:s13], $0x1000  }
.Ltmp1:
0x38: {  	[sflag:s13] =	ssyncset.done $0x0;
	(pc) =	sbr.rel @p0 .LBB2_1-.Ltmp1, $4  }
0x39: {  	[sflag:s13] =	ssyncadd.s32 $0xFFFFF000  }
0x3a: {  	[hbm4b:s14+s2] =	stream.linear.scatter [tilespmem:s7], [sflag:$0x2], $0x4000, $0x38;
	[tilespmem:$0x4200] =	vst v63  }
0x3b: {  	_ =	swait.ge [sflag:s3], $0x4000  }
0x3c: {  	[sflag:s3] =	ssyncset.done $0x0  }
.LBB2_2:
0x3d: {  	[sflag:s3] =	ssyncadd.s32 $0xFFFFC000  }
0x3e: {  	_ =	sfence.sel $0x180000  }
0x3f: {  	[bflag:$0x0] =	sbarrier.arrive $0xFFFF  }
0x40: {  	p0 =	sne.s32 s0, $0x0;
	_ =	strace $0x90000047  }
0x41: {  	s0 =	sadd.s32 @!p0 $0x100000, s1;
	[bflag:$0x2] =	sbarrier.arrive $0xFFFF  }
0x42: {  	[sflag:s0] =	ssyncadd.tile.s32 @!p0 $0x1;
	_ =	shalt  }
.Lfunc_end2:
_tile_overlayer_lowered:
.L_overlay_start_2:
0x43: {  	(tag) =	ssettag $0x2  }
0x44: {  	s0 =	rddreg [dreg:$0x0];
	s2 =	stileid.u32  }
0x45: {  	s1 =	rddreg [dreg:$0x1];
	p0 =	sne.s32 s2, $0x0  }
0x46: {  	s3 =	rddreg [dreg:$0x2];
	[bflag:$0x3] =	sbarrier.arrive $0xFFFF;
	s2 =	simm.s32 @!p0 $0x1C02  }
0x47: {  	[timem:s3], [sflag:s2] =	dma.local @!p0 [hbm:s0], s1  }
0x48: {  	s0 =	simm.s32 @!p0 $0x2  }
0x49: {  	_ =	swait.ge @!p0 [sflag:s0], s1  }
0x4a: {  	s1 =	ssub.s32 @!p0 $0x0, s1;
	[sflag:s0] =	ssyncset.done @!p0 $0x0  }
0x4b: {  	[sflag:s0] =	ssyncadd.s32 @!p0 s1  }
0x4c: {  	[bflag:$0x3] =	sbarrier.arrive $0xFFFF  }
0x4d: {  	_ =	shalt  }

</sc_bundles>
